<compile_context>
chip_gen: v7x
topology: tpu7x:2x2x1
jax: 0.10.2.dev20260603
libtpu: 0.0.44.dev20260713+nightly
codegen_flags: <defaults>
</compile_context>

<pallas_src>
import functools

import jax
import jax.numpy as jnp
from jax import lax
from jax.experimental import pallas as pl
from jax.experimental.pallas import tpu as pltpu
from jax.experimental.pallas import tpu_sc as plsc

_SC_NC, _SC_NS, _SC_L = 2, 16, 16


def _sc_build_a_kernel(idx_hbm, w_hbm, a_hbm, idx_v, w_v, acc_v, *,
                       rows_per_worker, K, E):
    wid = lax.axis_index("s") * _SC_NC + lax.axis_index("c")
    base_row = wid * rows_per_worker
    n_pairs = rows_per_worker * K
    pltpu.sync_copy(idx_hbm.at[pl.ds(base_row * K, n_pairs)], idx_v)
    pltpu.sync_copy(w_hbm.at[pl.ds(base_row * K, n_pairs)], w_v)

    zeros16 = jnp.zeros((_SC_L,), jnp.float32)
    _ZU = 8

    def _zero(i, c):
        for u in range(_ZU):
            acc_v[pl.ds((i * _ZU + u) * _SC_L, _SC_L)] = zeros16
        return c

    lax.fori_loop(0, (rows_per_worker * E) // (_SC_L * _ZU), _zero, 0)

    lane = lax.iota(jnp.int32, _SC_L)

    def _scatter(i, c):
        rows = i * _SC_L + lane
        for k in range(K):
            iv = plsc.load_gather(idx_v, [rows * K + k])
            wv = plsc.load_gather(w_v, [rows * K + k])
            plsc.addupdate_scatter(acc_v, [rows * E + iv], wv)
        return c

    lax.fori_loop(0, rows_per_worker // _SC_L, _scatter, 0)

    pltpu.sync_copy(acc_v, a_hbm.at[pl.ds(base_row * E, rows_per_worker * E)])


def _sc_build_a(idx_flat, w_flat, R, K, E):
    rows_per_worker = R // (_SC_NC * _SC_NS)
    n_pairs = rows_per_worker * K
    kfn = pl.kernel(
        functools.partial(_sc_build_a_kernel, rows_per_worker=rows_per_worker,
                          K=K, E=E),
        mesh=plsc.VectorSubcoreMesh(core_axis_name="c", subcore_axis_name="s"),
        compiler_params=pltpu.CompilerParams(needs_layout_passes=False),
        out_type=jax.ShapeDtypeStruct((R * E,), jnp.float32),
        scratch_types=[
            pltpu.VMEM((n_pairs,), jnp.int32),
            pltpu.VMEM((n_pairs,), jnp.float32),
            pltpu.VMEM((rows_per_worker * E,), jnp.float32),
        ],
    )
    return kfn(idx_flat, w_flat)


def _gelu_exact(x):
    return x * 0.5 * (1.0 + jax.lax.erf(x * 0.7071067811865476))


def _ln(x, g, b, eps=1e-5):
    mu = jnp.mean(x, axis=-1, keepdims=True)
    var = jnp.mean(x * x, axis=-1, keepdims=True) - mu * mu
    return (x - mu) * jax.lax.rsqrt(var + eps) * g + b


def _fused_kernel(a_ref, x_ref, We_ref, be_ref, ge_ref, bbe_ref, Wn_ref,
                  bn_ref, gn_ref, bbn_ref, out_ref, he_s, he2_s, xbf_s, *,
                  NB, Tn):
    nb = pl.program_id(1)

    @pl.when(nb < NB)
    def _phase1():
        x = x_ref[0]
        xbf_s[pl.ds(nb * Tn, Tn), :] = x.astype(jnp.bfloat16)
        a = a_ref[0]
        acc = jax.lax.dot_general(a, x, (((0,), (0,)), ((), ())),
                                  preferred_element_type=jnp.float32)

        @pl.when(nb == 0)
        def _():
            he_s[...] = acc

        @pl.when(nb != 0)
        def _():
            he_s[...] += acc

    @pl.when(nb == NB)
    def _phase2():
        y = jax.lax.dot_general(he_s[...], We_ref[...],
                                (((1,), (0,)), ((), ())),
                                preferred_element_type=jnp.float32)
        y = _gelu_exact(y + be_ref[...])
        he2_s[...] = _ln(y, ge_ref[...], bbe_ref[...]).astype(jnp.bfloat16)

    @pl.when(nb > NB)
    def _phase3():
        j = nb - NB - 1
        a = a_ref[0].astype(jnp.bfloat16)
        xg = jax.lax.dot_general(a, he2_s[...], (((1,), (0,)), ((), ())),
                                 preferred_element_type=jnp.float32)
        y = jax.lax.dot_general(xg.astype(jnp.bfloat16), Wn_ref[...],
                                (((1,), (0,)), ((), ())),
                                preferred_element_type=jnp.float32)
        y = _gelu_exact(y + bn_ref[...])
        y = _ln(y, gn_ref[...], bbn_ref[...])
        out_ref[0] = y + xbf_s[pl.ds(j * Tn, Tn), :].astype(jnp.float32)


def kernel(X, edge_idx, edge_w, We, be, ge, bbe, Wn, bn, gn, bbn):
    B, N, D = X.shape
    K = edge_idx.shape[-1]
    E = 64
    Tn = 1024
    NB = N // Tn
    S = 2 * NB + 1

    idx = edge_idx.astype(jnp.int32)

    a_mat = _sc_build_a(idx.reshape(B * N * K), edge_w.reshape(B * N * K),
                        B * N, K, E).reshape(B, N, E)

    be2 = be.reshape(1, D)
    ge2 = ge.reshape(1, D)
    bbe2 = bbe.reshape(1, D)
    bn2 = bn.reshape(1, D)
    gn2 = gn.reshape(1, D)
    bbn2 = bbn.reshape(1, D)

    def a_map(b, nb):
        j = jnp.where(nb < NB, nb,
                      jnp.clip(nb - NB - 1, 0, NB - 1))
        return (b, j, 0)

    def x_map(b, nb):
        return (b, jnp.minimum(nb, NB - 1), 0)

    def out_map(b, nb):
        return (b, jnp.clip(nb - NB - 1, 0, NB - 1), 0)

    const = lambda b, nb: (0, 0)

    out = pl.pallas_call(
        functools.partial(_fused_kernel, NB=NB, Tn=Tn),
        grid=(B, S),
        in_specs=[
            pl.BlockSpec((1, Tn, E), a_map),
            pl.BlockSpec((1, Tn, D), x_map),
            pl.BlockSpec(We.shape, const),
            pl.BlockSpec((1, D), const),
            pl.BlockSpec((1, D), const),
            pl.BlockSpec((1, D), const),
            pl.BlockSpec(Wn.shape, const),
            pl.BlockSpec((1, D), const),
            pl.BlockSpec((1, D), const),
            pl.BlockSpec((1, D), const),
        ],
        out_specs=pl.BlockSpec((1, Tn, D), out_map),
        out_shape=jax.ShapeDtypeStruct((B, N, D), jnp.float32),
        compiler_params=pltpu.CompilerParams(
            vmem_limit_bytes=100 * 1024 * 1024,
            fuse_transposed_lhs_in_matmul=True),
        scratch_shapes=[
            pltpu.VMEM((E, D), jnp.float32),
            pltpu.VMEM((E, D), jnp.bfloat16),
            pltpu.VMEM((N, D), jnp.bfloat16),
        ],
    )(a_mat, X, We, be2, ge2, bbe2, Wn.astype(jnp.bfloat16), bn2, gn2, bbn2)

    return out

# --- scband reference (transcript-rebuilt; emitter-appended) ---
"""Pipeline reference for scband-compress-ada-hgconv-25099788878233 (READ-ONLY COPY).

The authoritative reference and input builder live on the scoring server;
editing this copy changes nothing except your own understanding.
"""

import jax, jax.numpy as jnp
import numpy as np

B, N, D, E, K = 4, 4096, 1024, 64, 8

def layer_norm(x, g, b, eps=1e-5):
    mu = jnp.mean(x, axis=-1, keepdims=True)
    var = jnp.mean((x - mu) ** 2, axis=-1, keepdims=True)
    return (x - mu) / jnp.sqrt(var + eps) * g + b

def setup_inputs(seed: int = 0):
    key = jax.random.key(seed)
    ks = jax.random.split(key, 8)
    X = jax.random.normal(ks[0], (B, N, D), dtype=jnp.float32)
    edge_idx = jax.random.randint(ks[1], (B, N, K), 0, E)
    edge_w = jax.random.uniform(ks[2], (B, N, K), dtype=jnp.float32)
    s = 1.0 / np.sqrt(D)
    We = jax.random.uniform(ks[3], (D, D), jnp.float32, -s, s)
    be = jax.random.uniform(ks[4], (D,), jnp.float32, -s, s)
    Wn = jax.random.uniform(ks[5], (D, D), jnp.float32, -s, s)
    bn = jax.random.uniform(ks[6], (D,), jnp.float32, -s, s)
    ge = jnp.ones((D,), jnp.float32)
    bbe = jnp.zeros((D,), jnp.float32)
    gn = jnp.ones((D,), jnp.float32)
    bbn = jnp.zeros((D,), jnp.float32)
    return {"X": X, "edge_idx": edge_idx, "edge_w": edge_w, "We": We, "be": be, "ge": ge, "bbe": bbe, "Wn": Wn, "bn": bn, "gn": gn, "bbn": bbn}

def reference(X, edge_idx, edge_w, We, be, ge, bbe, Wn, bn, gn, bbn):
    # X: [B,N,D], edge_idx: [B,N,K] in [0,E), edge_w: [B,N,K]
    idx = edge_idx.reshape(B, N * K)
    contrib = (edge_w[..., None] * X[:, :, None, :]).reshape(B, N * K, D)
    # scatter-add into E hyperedges per batch
    He = jax.vmap(lambda i, c: jax.ops.segment_sum(c, i, num_segments=E))(idx, contrib)
    # edge_proj: Linear -> GELU(exact) -> Dropout(eval=identity) -> LayerNorm
    He = layer_norm(jax.nn.gelu(He @ We + be, approximate=False), ge, bbe)
    # gather selected hyperedge embeddings back to nodes
    He_sel = jnp.take_along_axis(He, idx[:, :, None], axis=1).reshape(B, N, K, D)
    X_new = jnp.sum(edge_w[..., None] * He_sel, axis=2)
    # node_proj: Linear -> GELU(exact) -> Dropout(eval=identity) -> LayerNorm
    X_new = layer_norm(jax.nn.gelu(X_new @ Wn + bn, approximate=False), gn, bbn)
    return X_new + X

if __name__ == "__main__":
    import jax
    _d = setup_inputs()
    print(jax.jit(kernel)(*tuple(_d.values())))

</pallas_src>

<mosaic_0001>
#map = affine_map<(d0, d1) -> (0)>
module attributes {stable_mosaic.version = 14 : i64} {
  func.func @_sc_build_a_kernel(%arg0: i32, %arg1: i32, %arg2: memref<131072xi32, #tpu.memory_space<hbm>>, %arg3: memref<131072xf32, #tpu.memory_space<hbm>>, %arg4: memref<1048576xf32, #tpu.memory_space<hbm>>, %arg5: memref<4096xi32, #tpu.memory_space<vmem>>, %arg6: memref<4096xf32, #tpu.memory_space<vmem>>, %arg7: memref<32768xf32, #tpu.memory_space<vmem>>) attributes {dimension_semantics = [#tpu.dimension_semantics<core_parallel>, #tpu.dimension_semantics<subcore_parallel>], iteration_bounds = array<i64: 2, 16>, scalar_prefetch = 0 : i64, scratch_operands = 3 : i64, tpu.core_type = #tpu.core_type<sc_vector_subcore>, window_params = [{transform_indices = #map}, {transform_indices = #map}, {transform_indices = #map}]} {
    %mul3A = arith.constant 2 : i32
    %mul3A_0 = arith.muli %arg1, %mul3A : i32
    %add3A = arith.addi %mul3A_0, %arg0 : i32
    %mul3A_1 = arith.constant 512 : i32
    %mul3A_2 = arith.muli %add3A, %mul3A_1 : i32
    %mul3A_3 = arith.constant 8 : i32
    %mul3A_4 = arith.muli %mul3A_2, %mul3A_3 : i32
    "tpu.region"() ({
      %run_scoped3A = tpu.sem_alloc : memref<!tpu.dma_semaphore, #tpu.memory_space<semaphore_mem>>
      %dma_start3A = tpu.memref_slice %arg2[%mul3A_4] : memref<131072xi32, #tpu.memory_space<hbm>> -> memref<4096xi32, #tpu.memory_space<hbm>>
      %dma_start3A_21 = tpu.memref_slice %arg2[%mul3A_4] : memref<131072xi32, #tpu.memory_space<hbm>> -> memref<4096xi32, #tpu.memory_space<hbm>>
      tpu.enqueue_dma source(%dma_start3A_21 : memref<4096xi32, #tpu.memory_space<hbm>>) target(%arg5 : memref<4096xi32, #tpu.memory_space<vmem>>) target_semaphore(%run_scoped3A : memref<!tpu.dma_semaphore, #tpu.memory_space<semaphore_mem>>)
      %dma_wait3A = tpu.memref_slice %arg2[%mul3A_4] : memref<131072xi32, #tpu.memory_space<hbm>> -> memref<4096xi32, #tpu.memory_space<hbm>>
      %dma_wait3A_22 = tpu.memref_slice %arg2[%mul3A_4] : memref<131072xi32, #tpu.memory_space<hbm>> -> memref<4096xi32, #tpu.memory_space<hbm>>
      tpu.wait_dma2 semaphore(%run_scoped3A : memref<!tpu.dma_semaphore, #tpu.memory_space<semaphore_mem>>) src(%dma_wait3A_22 : memref<4096xi32, #tpu.memory_space<hbm>>) dst(%arg5 : memref<4096xi32, #tpu.memory_space<vmem>>)
      tpu.yield
    }) : () -> ()
    %mul3A_5 = arith.constant 8 : i32
    %mul3A_6 = arith.muli %mul3A_2, %mul3A_5 : i32
    "tpu.region"() ({
      %run_scoped3A = tpu.sem_alloc : memref<!tpu.dma_semaphore, #tpu.memory_space<semaphore_mem>>
      %dma_start3A = tpu.memref_slice %arg3[%mul3A_6] : memref<131072xf32, #tpu.memory_space<hbm>> -> memref<4096xf32, #tpu.memory_space<hbm>>
      %dma_start3A_21 = tpu.memref_slice %arg3[%mul3A_6] : memref<131072xf32, #tpu.memory_space<hbm>> -> memref<4096xf32, #tpu.memory_space<hbm>>
      tpu.enqueue_dma source(%dma_start3A_21 : memref<4096xf32, #tpu.memory_space<hbm>>) target(%arg6 : memref<4096xf32, #tpu.memory_space<vmem>>) target_semaphore(%run_scoped3A : memref<!tpu.dma_semaphore, #tpu.memory_space<semaphore_mem>>)
      %dma_wait3A = tpu.memref_slice %arg3[%mul3A_6] : memref<131072xf32, #tpu.memory_space<hbm>> -> memref<4096xf32, #tpu.memory_space<hbm>>
      %dma_wait3A_22 = tpu.memref_slice %arg3[%mul3A_6] : memref<131072xf32, #tpu.memory_space<hbm>> -> memref<4096xf32, #tpu.memory_space<hbm>>
      tpu.wait_dma2 semaphore(%run_scoped3A : memref<!tpu.dma_semaphore, #tpu.memory_space<semaphore_mem>>) src(%dma_wait3A_22 : memref<4096xf32, #tpu.memory_space<hbm>>) dst(%arg6 : memref<4096xf32, #tpu.memory_space<vmem>>)
      tpu.yield
    }) : () -> ()
    %broadcast_in_dim3A = arith.constant 0.000000e+00 : f32
    %broadcast_in_dim3A_7 = vector.broadcast %broadcast_in_dim3A : f32 to vector<16xf32>
    %scan3A = arith.constant 0 : i32
    %scan3A_8 = arith.constant 0 : i32
    %scan3A_9 = arith.constant 256 : i32
    %scan3A_10 = arith.addi %scan3A_8, %scan3A_9 : i32
    %scan3A_11 = arith.constant 1 : i32
    scf.for %scan3A_21 = %scan3A_8 to %scan3A_10 step %scan3A_11  : i32 {
      %mul3A_22 = arith.constant 8 : i32
      %mul3A_23 = arith.muli %scan3A_21, %mul3A_22 : i32
      %add3A_24 = arith.constant 0 : i32
      %add3A_25 = arith.addi %mul3A_23, %add3A_24 : i32
      %mul3A_26 = arith.constant 16 : i32
      %mul3A_27 = arith.muli %add3A_25, %mul3A_26 : i32
      %swap3A = arith.index_cast %mul3A_27 : i32 to index
      %swap3A_28 = tpu.vector_load %arg7[%swap3A] {strides = array<i32>} : memref<32768xf32, #tpu.memory_space<vmem>>, vector<16xf32>,
      tpu.vector_store %arg7[%swap3A], %broadcast_in_dim3A_7 {strides = array<i32>} : memref<32768xf32, #tpu.memory_space<vmem>>, vector<16xf32>,
      %mul3A_29 = arith.constant 8 : i32
      %mul3A_30 = arith.muli %scan3A_21, %mul3A_29 : i32
      %add3A_31 = arith.constant 1 : i32
      %add3A_32 = arith.addi %mul3A_30, %add3A_31 : i32
      %mul3A_33 = arith.constant 16 : i32
      %mul3A_34 = arith.muli %add3A_32, %mul3A_33 : i32
      %swap3A_35 = arith.index_cast %mul3A_34 : i32 to index
      %swap3A_36 = tpu.vector_load %arg7[%swap3A_35] {strides = array<i32>} : memref<32768xf32, #tpu.memory_space<vmem>>, vector<16xf32>,
      tpu.vector_store %arg7[%swap3A_35], %broadcast_in_dim3A_7 {strides = array<i32>} : memref<32768xf32, #tpu.memory_space<vmem>>, vector<16xf32>,
      %mul3A_37 = arith.constant 8 : i32
      %mul3A_38 = arith.muli %scan3A_21, %mul3A_37 : i32
      %add3A_39 = arith.constant 2 : i32
      %add3A_40 = arith.addi %mul3A_38, %add3A_39 : i32
      %mul3A_41 = arith.constant 16 : i32
      %mul3A_42 = arith.muli %add3A_40, %mul3A_41 : i32
      %swap3A_43 = arith.index_cast %mul3A_42 : i32 to index
      %swap3A_44 = tpu.vector_load %arg7[%swap3A_43] {strides = array<i32>} : memref<32768xf32, #tpu.memory_space<vmem>>, vector<16xf32>,
      tpu.vector_store %arg7[%swap3A_43], %broadcast_in_dim3A_7 {strides = array<i32>} : memref<32768xf32, #tpu.memory_space<vmem>>, vector<16xf32>,
      %mul3A_45 = arith.constant 8 : i32
      %mul3A_46 = arith.muli %scan3A_21, %mul3A_45 : i32
      %add3A_47 = arith.constant 3 : i32
      %add3A_48 = arith.addi %mul3A_46, %add3A_47 : i32
      %mul3A_49 = arith.constant 16 : i32
      %mul3A_50 = arith.muli %add3A_48, %mul3A_49 : i32
      %swap3A_51 = arith.index_cast %mul3A_50 : i32 to index
      %swap3A_52 = tpu.vector_load %arg7[%swap3A_51] {strides = array<i32>} : memref<32768xf32, #tpu.memory_space<vmem>>, vector<16xf32>,
      tpu.vector_store %arg7[%swap3A_51], %broadcast_in_dim3A_7 {strides = array<i32>} : memref<32768xf32, #tpu.memory_space<vmem>>, vector<16xf32>,
      %mul3A_53 = arith.constant 8 : i32
      %mul3A_54 = arith.muli %scan3A_21, %mul3A_53 : i32
      %add3A_55 = arith.constant 4 : i32
      %add3A_56 = arith.addi %mul3A_54, %add3A_55 : i32
      %mul3A_57 = arith.constant 16 : i32
      %mul3A_58 = arith.muli %add3A_56, %mul3A_57 : i32
      %swap3A_59 = arith.index_cast %mul3A_58 : i32 to index
      %swap3A_60 = tpu.vector_load %arg7[%swap3A_59] {strides = array<i32>} : memref<32768xf32, #tpu.memory_space<vmem>>, vector<16xf32>,
      tpu.vector_store %arg7[%swap3A_59], %broadcast_in_dim3A_7 {strides = array<i32>} : memref<32768xf32, #tpu.memory_space<vmem>>, vector<16xf32>,
      %mul3A_61 = arith.constant 8 : i32
      %mul3A_62 = arith.muli %scan3A_21, %mul3A_61 : i32
      %add3A_63 = arith.constant 5 : i32
      %add3A_64 = arith.addi %mul3A_62, %add3A_63 : i32
      %mul3A_65 = arith.constant 16 : i32
      %mul3A_66 = arith.muli %add3A_64, %mul3A_65 : i32
      %swap3A_67 = arith.index_cast %mul3A_66 : i32 to index
      %swap3A_68 = tpu.vector_load %arg7[%swap3A_67] {strides = array<i32>} : memref<32768xf32, #tpu.memory_space<vmem>>, vector<16xf32>,
      tpu.vector_store %arg7[%swap3A_67], %broadcast_in_dim3A_7 {strides = array<i32>} : memref<32768xf32, #tpu.memory_space<vmem>>, vector<16xf32>,
      %mul3A_69 = arith.constant 8 : i32
      %mul3A_70 = arith.muli %scan3A_21, %mul3A_69 : i32
      %add3A_71 = arith.constant 6 : i32
      %add3A_72 = arith.addi %mul3A_70, %add3A_71 : i32
      %mul3A_73 = arith.constant 16 : i32
      %mul3A_74 = arith.muli %add3A_72, %mul3A_73 : i32
      %swap3A_75 = arith.index_cast %mul3A_74 : i32 to index
      %swap3A_76 = tpu.vector_load %arg7[%swap3A_75] {strides = array<i32>} : memref<32768xf32, #tpu.memory_space<vmem>>, vector<16xf32>,
      tpu.vector_store %arg7[%swap3A_75], %broadcast_in_dim3A_7 {strides = array<i32>} : memref<32768xf32, #tpu.memory_space<vmem>>, vector<16xf32>,
      %mul3A_77 = arith.constant 8 : i32
      %mul3A_78 = arith.muli %scan3A_21, %mul3A_77 : i32
      %add3A_79 = arith.constant 7 : i32
      %add3A_80 = arith.addi %mul3A_78, %add3A_79 : i32
      %mul3A_81 = arith.constant 16 : i32
      %mul3A_82 = arith.muli %add3A_80, %mul3A_81 : i32
      %swap3A_83 = arith.index_cast %mul3A_82 : i32 to index
      %swap3A_84 = tpu.vector_load %arg7[%swap3A_83] {strides = array<i32>} : memref<32768xf32, #tpu.memory_space<vmem>>, vector<16xf32>,
      tpu.vector_store %arg7[%swap3A_83], %broadcast_in_dim3A_7 {strides = array<i32>} : memref<32768xf32, #tpu.memory_space<vmem>>, vector<16xf32>,
    }
    %scan3A_12 = arith.constant 256 : i32
    %iota3A = tpu.iota {dimensions = array<i32: 0>} : vector<16xi32>
    %scan3A_13 = arith.constant 0 : i32
    %scan3A_14 = arith.constant 0 : i32
    %scan3A_15 = arith.constant 32 : i32
    %scan3A_16 = arith.addi %scan3A_14, %scan3A_15 : i32
    %scan3A_17 = arith.constant 1 : i32
    scf.for %scan3A_21 = %scan3A_14 to %scan3A_16 step %scan3A_17  : i32 {
      %mul3A_22 = arith.constant 16 : i32
      %mul3A_23 = arith.muli %scan3A_21, %mul3A_22 : i32
      %add3A_24 = vector.broadcast %mul3A_23 : i32 to vector<16xi32>
      %add3A_25 = arith.addi %add3A_24, %iota3A : vector<16xi32>
      %mul3A_26 = arith.constant 8 : i32
      %mul3A_27 = vector.broadcast %mul3A_26 : i32 to vector<16xi32>
      %mul3A_28 = arith.muli %add3A_25, %mul3A_27 : vector<16xi32>
      %add3A_29 = arith.constant 0 : i32
      %add3A_30 = vector.broadcast %add3A_29 : i32 to vector<16xi32>
      %add3A_31 = arith.addi %mul3A_28, %add3A_30 : vector<16xi32>
      %gather3A = tpu.vector_load_idx %arg5[%add3A_31] : memref<4096xi32, #tpu.memory_space<vmem>>[vector<16xi32>], vector<16xi32>,
      %mul3A_32 = arith.constant 8 : i32
      %mul3A_33 = vector.broadcast %mul3A_32 : i32 to vector<16xi32>
      %mul3A_34 = arith.muli %add3A_25, %mul3A_33 : vector<16xi32>
      %add3A_35 = arith.constant 0 : i32
      %add3A_36 = vector.broadcast %add3A_35 : i32 to vector<16xi32>
      %add3A_37 = arith.addi %mul3A_34, %add3A_36 : vector<16xi32>
      %gather3A_38 = tpu.vector_load_idx %arg6[%add3A_37] : memref<4096xf32, #tpu.memory_space<vmem>>[vector<16xi32>], vector<16xf32>,
      %mul3A_39 = arith.constant 64 : i32
      %mul3A_40 = vector.broadcast %mul3A_39 : i32 to vector<16xi32>
      %mul3A_41 = arith.muli %add3A_25, %mul3A_40 : vector<16xi32>
      %add3A_42 = arith.addi %mul3A_41, %gather3A : vector<16xi32>
      tpu.vector_store_idx %arg7[%add3A_42], %gather3A_38 {add = true} : memref<32768xf32, #tpu.memory_space<vmem>>[vector<16xi32>], vector<16xf32>,
      %mul3A_43 = arith.constant 8 : i32
      %mul3A_44 = vector.broadcast %mul3A_43 : i32 to vector<16xi32>
      %mul3A_45 = arith.muli %add3A_25, %mul3A_44 : vector<16xi32>
      %add3A_46 = arith.constant 1 : i32
      %add3A_47 = vector.broadcast %add3A_46 : i32 to vector<16xi32>
      %add3A_48 = arith.addi %mul3A_45, %add3A_47 : vector<16xi32>
      %gather3A_49 = tpu.vector_load_idx %arg5[%add3A_48] : memref<4096xi32, #tpu.memory_space<vmem>>[vector<16xi32>], vector<16xi32>,
      %mul3A_50 = arith.constant 8 : i32
      %mul3A_51 = vector.broadcast %mul3A_50 : i32 to vector<16xi32>
      %mul3A_52 = arith.muli %add3A_25, %mul3A_51 : vector<16xi32>
      %add3A_53 = arith.constant 1 : i32
      %add3A_54 = vector.broadcast %add3A_53 : i32 to vector<16xi32>
      %add3A_55 = arith.addi %mul3A_52, %add3A_54 : vector<16xi32>
      %gather3A_56 = tpu.vector_load_idx %arg6[%add3A_55] : memref<4096xf32, #tpu.memory_space<vmem>>[vector<16xi32>], vector<16xf32>,
      %mul3A_57 = arith.constant 64 : i32
      %mul3A_58 = vector.broadcast %mul3A_57 : i32 to vector<16xi32>
      %mul3A_59 = arith.muli %add3A_25, %mul3A_58 : vector<16xi32>
      %add3A_60 = arith.addi %mul3A_59, %gather3A_49 : vector<16xi32>
      tpu.vector_store_idx %arg7[%add3A_60], %gather3A_56 {add = true} : memref<32768xf32, #tpu.memory_space<vmem>>[vector<16xi32>], vector<16xf32>,
      %mul3A_61 = arith.constant 8 : i32
      %mul3A_62 = vector.broadcast %mul3A_61 : i32 to vector<16xi32>
      %mul3A_63 = arith.muli %add3A_25, %mul3A_62 : vector<16xi32>
      %add3A_64 = arith.constant 2 : i32
      %add3A_65 = vector.broadcast %add3A_64 : i32 to vector<16xi32>
      %add3A_66 = arith.addi %mul3A_63, %add3A_65 : vector<16xi32>
      %gather3A_67 = tpu.vector_load_idx %arg5[%add3A_66] : memref<4096xi32, #tpu.memory_space<vmem>>[vector<16xi32>], vector<16xi32>,
      %mul3A_68 = arith.constant 8 : i32
      %mul3A_69 = vector.broadcast %mul3A_68 : i32 to vector<16xi32>
      %mul3A_70 = arith.muli %add3A_25, %mul3A_69 : vector<16xi32>
      %add3A_71 = arith.constant 2 : i32
      %add3A_72 = vector.broadcast %add3A_71 : i32 to vector<16xi32>
      %add3A_73 = arith.addi %mul3A_70, %add3A_72 : vector<16xi32>
      %gather3A_74 = tpu.vector_load_idx %arg6[%add3A_73] : memref<4096xf32, #tpu.memory_space<vmem>>[vector<16xi32>], vector<16xf32>,
      %mul3A_75 = arith.constant 64 : i32
      %mul3A_76 = vector.broadcast %mul3A_75 : i32 to vector<16xi32>
      %mul3A_77 = arith.muli %add3A_25, %mul3A_76 : vector<16xi32>
      %add3A_78 = arith.addi %mul3A_77, %gather3A_67 : vector<16xi32>
      tpu.vector_store_idx %arg7[%add3A_78], %gather3A_74 {add = true} : memref<32768xf32, #tpu.memory_space<vmem>>[vector<16xi32>], vector<16xf32>,
      %mul3A_79 = arith.constant 8 : i32
      %mul3A_80 = vector.broadcast %mul3A_79 : i32 to vector<16xi32>
      %mul3A_81 = arith.muli %add3A_25, %mul3A_80 : vector<16xi32>
      %add3A_82 = arith.constant 3 : i32
      %add3A_83 = vector.broadcast %add3A_82 : i32 to vector<16xi32>
      %add3A_84 = arith.addi %mul3A_81, %add3A_83 : vector<16xi32>
      %gather3A_85 = tpu.vector_load_idx %arg5[%add3A_84] : memref<4096xi32, #tpu.memory_space<vmem>>[vector<16xi32>], vector<16xi32>,
      %mul3A_86 = arith.constant 8 : i32
      %mul3A_87 = vector.broadcast %mul3A_86 : i32 to vector<16xi32>
      %mul3A_88 = arith.muli %add3A_25, %mul3A_87 : vector<16xi32>
      %add3A_89 = arith.constant 3 : i32
      %add3A_90 = vector.broadcast %add3A_89 : i32 to vector<16xi32>
      %add3A_91 = arith.addi %mul3A_88, %add3A_90 : vector<16xi32>
      %gather3A_92 = tpu.vector_load_idx %arg6[%add3A_91] : memref<4096xf32, #tpu.memory_space<vmem>>[vector<16xi32>], vector<16xf32>,
      %mul3A_93 = arith.constant 64 : i32
      %mul3A_94 = vector.broadcast %mul3A_93 : i32 to vector<16xi32>
      %mul3A_95 = arith.muli %add3A_25, %mul3A_94 : vector<16xi32>
      %add3A_96 = arith.addi %mul3A_95, %gather3A_85 : vector<16xi32>
      tpu.vector_store_idx %arg7[%add3A_96], %gather3A_92 {add = true} : memref<32768xf32, #tpu.memory_space<vmem>>[vector<16xi32>], vector<16xf32>,
      %mul3A_97 = arith.constant 8 : i32
      %mul3A_98 = vector.broadcast %mul3A_97 : i32 to vector<16xi32>
      %mul3A_99 = arith.muli %add3A_25, %mul3A_98 : vector<16xi32>
      %add3A_100 = arith.constant 4 : i32
      %add3A_101 = vector.broadcast %add3A_100 : i32 to vector<16xi32>
      %add3A_102 = arith.addi %mul3A_99, %add3A_101 : vector<16xi32>
      %gather3A_103 = tpu.vector_load_idx %arg5[%add3A_102] : memref<4096xi32, #tpu.memory_space<vmem>>[vector<16xi32>], vector<16xi32>,
      %mul3A_104 = arith.constant 8 : i32
      %mul3A_105 = vector.broadcast %mul3A_104 : i32 to vector<16xi32>
      %mul3A_106 = arith.muli %add3A_25, %mul3A_105 : vector<16xi32>
      %add3A_107 = arith.constant 4 : i32
      %add3A_108 = vector.broadcast %add3A_107 : i32 to vector<16xi32>
      %add3A_109 = arith.addi %mul3A_106, %add3A_108 : vector<16xi32>
      %gather3A_110 = tpu.vector_load_idx %arg6[%add3A_109] : memref<4096xf32, #tpu.memory_space<vmem>>[vector<16xi32>], vector<16xf32>,
      %mul3A_111 = arith.constant 64 : i32
      %mul3A_112 = vector.broadcast %mul3A_111 : i32 to vector<16xi32>
      %mul3A_113 = arith.muli %add3A_25, %mul3A_112 : vector<16xi32>
      %add3A_114 = arith.addi %mul3A_113, %gather3A_103 : vector<16xi32>
      tpu.vector_store_idx %arg7[%add3A_114], %gather3A_110 {add = true} : memref<32768xf32, #tpu.memory_space<vmem>>[vector<16xi32>], vector<16xf32>,
      %mul3A_115 = arith.constant 8 : i32
      %mul3A_116 = vector.broadcast %mul3A_115 : i32 to vector<16xi32>
      %mul3A_117 = arith.muli %add3A_25, %mul3A_116 : vector<16xi32>
      %add3A_118 = arith.constant 5 : i32
      %add3A_119 = vector.broadcast %add3A_118 : i32 to vector<16xi32>
      %add3A_120 = arith.addi %mul3A_117, %add3A_119 : vector<16xi32>
      %gather3A_121 = tpu.vector_load_idx %arg5[%add3A_120] : memref<4096xi32, #tpu.memory_space<vmem>>[vector<16xi32>], vector<16xi32>,
      %mul3A_122 = arith.constant 8 : i32
      %mul3A_123 = vector.broadcast %mul3A_122 : i32 to vector<16xi32>
      %mul3A_124 = arith.muli %add3A_25, %mul3A_123 : vector<16xi32>
      %add3A_125 = arith.constant 5 : i32
      %add3A_126 = vector.broadcast %add3A_125 : i32 to vector<16xi32>
      %add3A_127 = arith.addi %mul3A_124, %add3A_126 : vector<16xi32>
      %gather3A_128 = tpu.vector_load_idx %arg6[%add3A_127] : memref<4096xf32, #tpu.memory_space<vmem>>[vector<16xi32>], vector<16xf32>,
      %mul3A_129 = arith.constant 64 : i32
      %mul3A_130 = vector.broadcast %mul3A_129 : i32 to vector<16xi32>
      %mul3A_131 = arith.muli %add3A_25, %mul3A_130 : vector<16xi32>
      %add3A_132 = arith.addi %mul3A_131, %gather3A_121 : vector<16xi32>
      tpu.vector_store_idx %arg7[%add3A_132], %gather3A_128 {add = true} : memref<32768xf32, #tpu.memory_space<vmem>>[vector<16xi32>], vector<16xf32>,
      %mul3A_133 = arith.constant 8 : i32
      %mul3A_134 = vector.broadcast %mul3A_133 : i32 to vector<16xi32>
      %mul3A_135 = arith.muli %add3A_25, %mul3A_134 : vector<16xi32>
      %add3A_136 = arith.constant 6 : i32
      %add3A_137 = vector.broadcast %add3A_136 : i32 to vector<16xi32>
      %add3A_138 = arith.addi %mul3A_135, %add3A_137 : vector<16xi32>
      %gather3A_139 = tpu.vector_load_idx %arg5[%add3A_138] : memref<4096xi32, #tpu.memory_space<vmem>>[vector<16xi32>], vector<16xi32>,
      %mul3A_140 = arith.constant 8 : i32
      %mul3A_141 = vector.broadcast %mul3A_140 : i32 to vector<16xi32>
      %mul3A_142 = arith.muli %add3A_25, %mul3A_141 : vector<16xi32>
      %add3A_143 = arith.constant 6 : i32
      %add3A_144 = vector.broadcast %add3A_143 : i32 to vector<16xi32>
      %add3A_145 = arith.addi %mul3A_142, %add3A_144 : vector<16xi32>
      %gather3A_146 = tpu.vector_load_idx %arg6[%add3A_145] : memref<4096xf32, #tpu.memory_space<vmem>>[vector<16xi32>], vector<16xf32>,
      %mul3A_147 = arith.constant 64 : i32
      %mul3A_148 = vector.broadcast %mul3A_147 : i32 to vector<16xi32>
      %mul3A_149 = arith.muli %add3A_25, %mul3A_148 : vector<16xi32>
      %add3A_150 = arith.addi %mul3A_149, %gather3A_139 : vector<16xi32>
      tpu.vector_store_idx %arg7[%add3A_150], %gather3A_146 {add = true} : memref<32768xf32, #tpu.memory_space<vmem>>[vector<16xi32>], vector<16xf32>,
      %mul3A_151 = arith.constant 8 : i32
      %mul3A_152 = vector.broadcast %mul3A_151 : i32 to vector<16xi32>
      %mul3A_153 = arith.muli %add3A_25, %mul3A_152 : vector<16xi32>
      %add3A_154 = arith.constant 7 : i32
      %add3A_155 = vector.broadcast %add3A_154 : i32 to vector<16xi32>
      %add3A_156 = arith.addi %mul3A_153, %add3A_155 : vector<16xi32>
      %gather3A_157 = tpu.vector_load_idx %arg5[%add3A_156] : memref<4096xi32, #tpu.memory_space<vmem>>[vector<16xi32>], vector<16xi32>,
      %mul3A_158 = arith.constant 8 : i32
      %mul3A_159 = vector.broadcast %mul3A_158 : i32 to vector<16xi32>
      %mul3A_160 = arith.muli %add3A_25, %mul3A_159 : vector<16xi32>
      %add3A_161 = arith.constant 7 : i32
      %add3A_162 = vector.broadcast %add3A_161 : i32 to vector<16xi32>
      %add3A_163 = arith.addi %mul3A_160, %add3A_162 : vector<16xi32>
      %gather3A_164 = tpu.vector_load_idx %arg6[%add3A_163] : memref<4096xf32, #tpu.memory_space<vmem>>[vector<16xi32>], vector<16xf32>,
      %mul3A_165 = arith.constant 64 : i32
      %mul3A_166 = vector.broadcast %mul3A_165 : i32 to vector<16xi32>
      %mul3A_167 = arith.muli %add3A_25, %mul3A_166 : vector<16xi32>
      %add3A_168 = arith.addi %mul3A_167, %gather3A_157 : vector<16xi32>
      tpu.vector_store_idx %arg7[%add3A_168], %gather3A_164 {add = true} : memref<32768xf32, #tpu.memory_space<vmem>>[vector<16xi32>], vector<16xf32>,
    }
    %scan3A_18 = arith.constant 32 : i32
    %mul3A_19 = arith.constant 64 : i32
    %mul3A_20 = arith.muli %mul3A_2, %mul3A_19 : i32
    "tpu.region"() ({
      %run_scoped3A = tpu.sem_alloc : memref<!tpu.dma_semaphore, #tpu.memory_space<semaphore_mem>>
      %dma_start3A = tpu.memref_slice %arg4[%mul3A_20] : memref<1048576xf32, #tpu.memory_space<hbm>> -> memref<32768xf32, #tpu.memory_space<hbm>>
      %dma_start3A_21 = tpu.memref_slice %arg4[%mul3A_20] : memref<1048576xf32, #tpu.memory_space<hbm>> -> memref<32768xf32, #tpu.memory_space<hbm>>
      tpu.enqueue_dma source(%arg7 : memref<32768xf32, #tpu.memory_space<vmem>>) target(%dma_start3A_21 : memref<32768xf32, #tpu.memory_space<hbm>>) target_semaphore(%run_scoped3A : memref<!tpu.dma_semaphore, #tpu.memory_space<semaphore_mem>>)
      %dma_wait3A = tpu.memref_slice %arg4[%mul3A_20] : memref<1048576xf32, #tpu.memory_space<hbm>> -> memref<32768xf32, #tpu.memory_space<hbm>>
      %dma_wait3A_22 = tpu.memref_slice %arg4[%mul3A_20] : memref<1048576xf32, #tpu.memory_space<hbm>> -> memref<32768xf32, #tpu.memory_space<hbm>>
      tpu.wait_dma2 semaphore(%run_scoped3A : memref<!tpu.dma_semaphore, #tpu.memory_space<semaphore_mem>>) src(%arg7 : memref<32768xf32, #tpu.memory_space<vmem>>) dst(%dma_wait3A_22 : memref<32768xf32, #tpu.memory_space<hbm>>)
      tpu.yield
    }) : () -> ()
    return
  }
}

module attributes {stable_mosaic.version = 14 : i64} {
  func.func @_fused_kernel(%arg0: i32, %arg1: i32, %arg2: memref<1x1024x64xf32, #tpu.memory_space<vmem>>, %arg3: memref<1x1024x1024xf32, #tpu.memory_space<vmem>>, %arg4: memref<1024x1024xf32, #tpu.memory_space<vmem>>, %arg5: memref<1x1024xf32, #tpu.memory_space<vmem>>, %arg6: memref<1x1024xf32, #tpu.memory_space<vmem>>, %arg7: memref<1x1024xf32, #tpu.memory_space<vmem>>, %arg8: memref<1024x1024xbf16, #tpu.memory_space<vmem>>, %arg9: memref<1x1024xf32, #tpu.memory_space<vmem>>, %arg10: memref<1x1024xf32, #tpu.memory_space<vmem>>, %arg11: memref<1x1024xf32, #tpu.memory_space<vmem>>, %arg12: memref<1x1024x1024xf32, #tpu.memory_space<vmem>>, %arg13: memref<64x1024xf32, #tpu.memory_space<vmem>>, %arg14: memref<64x1024xbf16, #tpu.memory_space<vmem>>, %arg15: memref<4096x1024xbf16, #tpu.memory_space<vmem>>) attributes {dimension_semantics = [#tpu.dimension_semantics<arbitrary>, #tpu.dimension_semantics<arbitrary>], iteration_bounds = array<i64: 4, 9>, scalar_prefetch = 0 : i64, scratch_operands = 3 : i64, tpu.core_type = #tpu.core_type<tc>, window_params = [{transform_indices = @transform_0, window_bounds = array<i64: 1, 1024, 64>}, {transform_indices = @transform_1, window_bounds = array<i64: 1, 1024, 1024>}, {pipeline_mode = #tpu.pipeline_mode<synchronous>, transform_indices = @transform_2, window_bounds = array<i64: 1024, 1024>}, {pipeline_mode = #tpu.pipeline_mode<synchronous>, transform_indices = @transform_3, window_bounds = array<i64: 1, 1024>}, {pipeline_mode = #tpu.pipeline_mode<synchronous>, transform_indices = @transform_4, window_bounds = array<i64: 1, 1024>}, {pipeline_mode = #tpu.pipeline_mode<synchronous>, transform_indices = @transform_5, window_bounds = array<i64: 1, 1024>}, {pipeline_mode = #tpu.pipeline_mode<synchronous>, transform_indices = @transform_6, window_bounds = array<i64: 1024, 1024>}, {pipeline_mode = #tpu.pipeline_mode<synchronous>, transform_indices = @transform_7, window_bounds = array<i64: 1, 1024>}, {pipeline_mode = #tpu.pipeline_mode<synchronous>, transform_indices = @transform_8, window_bounds = array<i64: 1, 1024>}, {pipeline_mode = #tpu.pipeline_mode<synchronous>, transform_indices = @transform_9, window_bounds = array<i64: 1, 1024>}, {transform_indices = @transform_10, window_bounds = array<i64: 1, 1024, 1024>}]} {
    %lt3A = arith.constant 4 : i32
    %lt3A_0 = arith.cmpi slt, %arg1, %lt3A : i32
    %convert_element_type3A = arith.extui %lt3A_0 : i1 to i32
    %cond3A = arith.constant 0 : i32
    %cond3A_1 = arith.cmpi ne, %convert_element_type3A, %cond3A : i32
    scf.if %cond3A_1 {
      %get3A = arith.constant 0 : index
      %get3A_10 = arith.constant 0 : index
      %get3A_11 = arith.constant 0 : index
      %get3A_12 = vector.load %arg3[%get3A, %get3A_10, %get3A_11] : memref<1x1024x1024xf32, #tpu.memory_space<vmem>>, vector<1x1024x1024xf32>
      %get3A_13 = vector.shape_cast %get3A_12 : vector<1x1024x1024xf32> to vector<1024x1024xf32>
      %convert_element_type3A_14 = arith.truncf %get3A_13 : vector<1024x1024xf32> to vector<1024x1024xbf16>
      %mul3A = arith.constant 1024 : i32
      %mul3A_15 = arith.muli %arg1, %mul3A : i32
      %swap3A = arith.index_cast %mul3A_15 : i32 to index
      %swap3A_16 = arith.constant 0 : index
      %swap3A_17 = vector.load %arg15[%swap3A, %swap3A_16] : memref<4096x1024xbf16, #tpu.memory_space<vmem>>, vector<1024x1024xbf16>
      tpu.vector_store %arg15[%swap3A, %swap3A_16], %convert_element_type3A_14 {strides = array<i32>} : memref<4096x1024xbf16, #tpu.memory_space<vmem>>, vector<1024x1024xbf16>,
      %get3A_18 = arith.constant 0 : index
      %get3A_19 = arith.constant 0 : index
      %get3A_20 = arith.constant 0 : index
      %get3A_21 = vector.load %arg2[%get3A_18, %get3A_19, %get3A_20] : memref<1x1024x64xf32, #tpu.memory_space<vmem>>, vector<1x1024x64xf32>
      %get3A_22 = vector.shape_cast %get3A_21 : vector<1x1024x64xf32> to vector<1024x64xf32>
      %dot_general3A = arith.constant dense<0.000000e+00> : vector<64x1024xf32>
      %dot_general3A_23 = tpu.matmul %get3A_22, %get3A_13, %dot_general3A {dimension_numbers = #tpu.dot_dimension_numbers<[0], [0], [1], [1], [0, 1, 1, 1], [], []>, transpose_lhs_hint = true} : vector<1024x64xf32>, vector<1024x1024xf32>, vector<64x1024xf32> -> vector<64x1024xf32>
      %eq3A_24 = arith.constant 0 : i32
      %eq3A_25 = arith.cmpi eq, %arg1, %eq3A_24 : i32
      %convert_element_type3A_26 = arith.extui %eq3A_25 : i1 to i32
      %cond3A_27 = arith.constant 0 : i32
      %cond3A_28 = arith.cmpi ne, %convert_element_type3A_26, %cond3A_27 : i32
      scf.if %cond3A_28 {
        %swap3A_33 = arith.constant 0 : index
        %swap3A_34 = arith.constant 0 : index
        %swap3A_35 = vector.load %arg13[%swap3A_33, %swap3A_34] : memref<64x1024xf32, #tpu.memory_space<vmem>>, vector<64x1024xf32>
        tpu.vector_store %arg13[%swap3A_33, %swap3A_34], %dot_general3A_23 {strides = array<i32>} : memref<64x1024xf32, #tpu.memory_space<vmem>>, vector<64x1024xf32>,
      } else {
      }
      %ne3A = arith.constant 0 : i32
      %ne3A_29 = arith.cmpi ne, %arg1, %ne3A : i32
      %convert_element_type3A_30 = arith.extui %ne3A_29 : i1 to i32
      %cond3A_31 = arith.constant 0 : i32
      %cond3A_32 = arith.cmpi ne, %convert_element_type3A_30, %cond3A_31 : i32
      scf.if %cond3A_32 {
        %get3A_33 = arith.constant 0 : index
        %get3A_34 = arith.constant 0 : index
        %get3A_35 = vector.load %arg13[%get3A_33, %get3A_34] : memref<64x1024xf32, #tpu.memory_space<vmem>>, vector<64x1024xf32>
        %add3A = arith.addf %get3A_35, %dot_general3A_23 : vector<64x1024xf32>
        %swap3A_36 = arith.constant 0 : index
        %swap3A_37 = arith.constant 0 : index
        %swap3A_38 = vector.load %arg13[%swap3A_36, %swap3A_37] : memref<64x1024xf32, #tpu.memory_space<vmem>>, vector<64x1024xf32>
        tpu.vector_store %arg13[%swap3A_36, %swap3A_37], %add3A {strides = array<i32>} : memref<64x1024xf32, #tpu.memory_space<vmem>>, vector<64x1024xf32>,
      } else {
      }
    } else {
    }
    %eq3A = arith.constant 4 : i32
    %eq3A_2 = arith.cmpi eq, %arg1, %eq3A : i32
    %convert_element_type3A_3 = arith.extui %eq3A_2 : i1 to i32
    %cond3A_4 = arith.constant 0 : i32
    %cond3A_5 = arith.cmpi ne, %convert_element_type3A_3, %cond3A_4 : i32
    scf.if %cond3A_5 {
      %get3A = arith.constant 0 : index
      %get3A_10 = arith.constant 0 : index
      %get3A_11 = vector.load %arg13[%get3A, %get3A_10] : memref<64x1024xf32, #tpu.memory_space<vmem>>, vector<64x1024xf32>
      %get3A_12 = arith.constant 0 : index
      %get3A_13 = arith.constant 0 : index
      %get3A_14 = vector.load %arg4[%get3A_12, %get3A_13] : memref<1024x1024xf32, #tpu.memory_space<vmem>>, vector<1024x1024xf32>
      %dot_general3A = arith.constant dense<0.000000e+00> : vector<64x1024xf32>
      %dot_general3A_15 = tpu.matmul %get3A_11, %get3A_14, %dot_general3A {dimension_numbers = #tpu.dot_dimension_numbers<[1], [0], [0], [1], [0, 0, 1, 1], [], []>, transpose_lhs_hint = false} : vector<64x1024xf32>, vector<1024x1024xf32>, vector<64x1024xf32> -> vector<64x1024xf32>
      %get3A_16 = arith.constant 0 : index
      %get3A_17 = arith.constant 0 : index
      %get3A_18 = vector.load %arg5[%get3A_16, %get3A_17] : memref<1x1024xf32, #tpu.memory_space<vmem>>, vector<1x1024xf32>
      %add3A = vector.broadcast %get3A_18 : vector<1x1024xf32> to vector<64x1024xf32>
      %add3A_19 = arith.addf %dot_general3A_15, %add3A : vector<64x1024xf32>
      %mul3A = arith.constant 5.000000e-01 : f32
      %mul3A_20 = vector.broadcast %mul3A : f32 to vector<64x1024xf32>
      %mul3A_21 = arith.mulf %add3A_19, %mul3A_20 : vector<64x1024xf32>
      %mul3A_22 = arith.constant 0.707106769 : f32
      %mul3A_23 = vector.broadcast %mul3A_22 : f32 to vector<64x1024xf32>
      %mul3A_24 = arith.mulf %add3A_19, %mul3A_23 : vector<64x1024xf32>
      %erf3A = math.erf %mul3A_24 : vector<64x1024xf32>
      %add3A_25 = arith.constant 1.000000e+00 : f32
      %add3A_26 = vector.broadcast %add3A_25 : f32 to vector<64x1024xf32>
      %add3A_27 = arith.addf %add3A_26, %erf3A : vector<64x1024xf32>
      %mul3A_28 = arith.mulf %mul3A_21, %add3A_27 : vector<64x1024xf32>
      %get3A_29 = arith.constant 0 : index
      %get3A_30 = arith.constant 0 : index
      %get3A_31 = vector.load %arg6[%get3A_29, %get3A_30] : memref<1x1024xf32, #tpu.memory_space<vmem>>, vector<1x1024xf32>
      %get3A_32 = arith.constant 0 : index
      %get3A_33 = arith.constant 0 : index
      %get3A_34 = vector.load %arg7[%get3A_32, %get3A_33] : memref<1x1024xf32, #tpu.memory_space<vmem>>, vector<1x1024xf32>
      %reduce_sum3A = arith.constant dense<0.000000e+00> : vector<64xf32>
      %reduce_sum3A_35 = vector.multi_reduction <add>, %mul3A_28, %reduce_sum3A [1] : vector<64x1024xf32> to vector<64xf32>
      %broadcast_in_dim3A = vector.shape_cast %reduce_sum3A_35 : vector<64xf32> to vector<64x1xf32>
      %div3A = arith.constant 1.024000e+03 : f32
      %div3A_36 = vector.broadcast %div3A : f32 to vector<64x1xf32>
      %div3A_37 = arith.divf %broadcast_in_dim3A, %div3A_36 : vector<64x1xf32>
      %mul3A_38 = arith.mulf %mul3A_28, %mul3A_28 : vector<64x1024xf32>
      %reduce_sum3A_39 = arith.constant dense<0.000000e+00> : vector<64xf32>
      %reduce_sum3A_40 = vector.multi_reduction <add>, %mul3A_38, %reduce_sum3A_39 [1] : vector<64x1024xf32> to vector<64xf32>
      %broadcast_in_dim3A_41 = vector.shape_cast %reduce_sum3A_40 : vector<64xf32> to vector<64x1xf32>
      %div3A_42 = arith.constant 1.024000e+03 : f32
      %div3A_43 = vector.broadcast %div3A_42 : f32 to vector<64x1xf32>
      %div3A_44 = arith.divf %broadcast_in_dim3A_41, %div3A_43 : vector<64x1xf32>
      %mul3A_45 = arith.mulf %div3A_37, %div3A_37 : vector<64x1xf32>
      %sub3A = arith.subf %div3A_44, %mul3A_45 : vector<64x1xf32>
      %sub3A_46 = vector.broadcast %div3A_37 : vector<64x1xf32> to vector<64x1024xf32>
      %sub3A_47 = arith.subf %mul3A_28, %sub3A_46 : vector<64x1024xf32>
      %add3A_48 = arith.constant 9.99999974E-6 : f32
      %add3A_49 = vector.broadcast %add3A_48 : f32 to vector<64x1xf32>
      %add3A_50 = arith.addf %sub3A, %add3A_49 : vector<64x1xf32>
      %rsqrt3A = math.rsqrt %add3A_50 : vector<64x1xf32>
      %mul3A_51 = vector.broadcast %rsqrt3A : vector<64x1xf32> to vector<64x1024xf32>
      %mul3A_52 = arith.mulf %sub3A_47, %mul3A_51 : vector<64x1024xf32>
      %mul3A_53 = vector.broadcast %get3A_31 : vector<1x1024xf32> to vector<64x1024xf32>
      %mul3A_54 = arith.mulf %mul3A_52, %mul3A_53 : vector<64x1024xf32>
      %add3A_55 = vector.broadcast %get3A_34 : vector<1x1024xf32> to vector<64x1024xf32>
      %add3A_56 = arith.addf %mul3A_54, %add3A_55 : vector<64x1024xf32>
      %convert_element_type3A_57 = arith.truncf %add3A_56 : vector<64x1024xf32> to vector<64x1024xbf16>
      %swap3A = arith.constant 0 : index
      %swap3A_58 = arith.constant 0 : index
      %swap3A_59 = vector.load %arg14[%swap3A, %swap3A_58] : memref<64x1024xbf16, #tpu.memory_space<vmem>>, vector<64x1024xbf16>
      tpu.vector_store %arg14[%swap3A, %swap3A_58], %convert_element_type3A_57 {strides = array<i32>} : memref<64x1024xbf16, #tpu.memory_space<vmem>>, vector<64x1024xbf16>,
    } else {
    }
    %gt3A = arith.constant 4 : i32
    %gt3A_6 = arith.cmpi sgt, %arg1, %gt3A : i32
    %convert_element_type3A_7 = arith.extui %gt3A_6 : i1 to i32
    %cond3A_8 = arith.constant 0 : i32
    %cond3A_9 = arith.cmpi ne, %convert_element_type3A_7, %cond3A_8 : i32
    scf.if %cond3A_9 {
      %sub3A = arith.constant 4 : i32
      %sub3A_10 = arith.subi %arg1, %sub3A : i32
      %sub3A_11 = arith.constant 1 : i32
      %sub3A_12 = arith.subi %sub3A_10, %sub3A_11 : i32
      %get3A = arith.constant 0 : index
      %get3A_13 = arith.constant 0 : index
      %get3A_14 = arith.constant 0 : index
      %get3A_15 = vector.load %arg2[%get3A, %get3A_13, %get3A_14] : memref<1x1024x64xf32, #tpu.memory_space<vmem>>, vector<1x1024x64xf32>
      %get3A_16 = vector.shape_cast %get3A_15 : vector<1x1024x64xf32> to vector<1024x64xf32>
      %convert_element_type3A_17 = arith.truncf %get3A_16 : vector<1024x64xf32> to vector<1024x64xbf16>
      %get3A_18 = arith.constant 0 : index
      %get3A_19 = arith.constant 0 : index
      %get3A_20 = vector.load %arg14[%get3A_18, %get3A_19] : memref<64x1024xbf16, #tpu.memory_space<vmem>>, vector<64x1024xbf16>
      %dot_general3A = arith.constant dense<0.000000e+00> : vector<1024x1024xf32>
      %dot_general3A_21 = tpu.matmul %convert_element_type3A_17, %get3A_20, %dot_general3A {dimension_numbers = #tpu.dot_dimension_numbers<[1], [0], [0], [1], [0, 0, 1, 1], [], []>, transpose_lhs_hint = false} : vector<1024x64xbf16>, vector<64x1024xbf16>, vector<1024x1024xf32> -> vector<1024x1024xf32>
      %convert_element_type3A_22 = arith.truncf %dot_general3A_21 : vector<1024x1024xf32> to vector<1024x1024xbf16>
      %get3A_23 = arith.constant 0 : index
      %get3A_24 = arith.constant 0 : index
      %get3A_25 = vector.load %arg8[%get3A_23, %get3A_24] : memref<1024x1024xbf16, #tpu.memory_space<vmem>>, vector<1024x1024xbf16>
      %dot_general3A_26 = arith.constant dense<0.000000e+00> : vector<1024x1024xf32>
      %dot_general3A_27 = tpu.matmul %convert_element_type3A_22, %get3A_25, %dot_general3A_26 {dimension_numbers = #tpu.dot_dimension_numbers<[1], [0], [0], [1], [0, 0, 1, 1], [], []>, transpose_lhs_hint = false} : vector<1024x1024xbf16>, vector<1024x1024xbf16>, vector<1024x1024xf32> -> vector<1024x1024xf32>
      %get3A_28 = arith.constant 0 : index
      %get3A_29 = arith.constant 0 : index
      %get3A_30 = vector.load %arg9[%get3A_28, %get3A_29] : memref<1x1024xf32, #tpu.memory_space<vmem>>, vector<1x1024xf32>
      %add3A = vector.broadcast %get3A_30 : vector<1x1024xf32> to vector<1024x1024xf32>
      %add3A_31 = arith.addf %dot_general3A_27, %add3A : vector<1024x1024xf32>
      %mul3A = arith.constant 5.000000e-01 : f32
      %mul3A_32 = vector.broadcast %mul3A : f32 to vector<1024x1024xf32>
      %mul3A_33 = arith.mulf %add3A_31, %mul3A_32 : vector<1024x1024xf32>
      %mul3A_34 = arith.constant 0.707106769 : f32
      %mul3A_35 = vector.broadcast %mul3A_34 : f32 to vector<1024x1024xf32>
      %mul3A_36 = arith.mulf %add3A_31, %mul3A_35 : vector<1024x1024xf32>
      %erf3A = math.erf %mul3A_36 : vector<1024x1024xf32>
      %add3A_37 = arith.constant 1.000000e+00 : f32
      %add3A_38 = vector.broadcast %add3A_37 : f32 to vector<1024x1024xf32>
      %add3A_39 = arith.addf %add3A_38, %erf3A : vector<1024x1024xf32>
      %mul3A_40 = arith.mulf %mul3A_33, %add3A_39 : vector<1024x1024xf32>
      %get3A_41 = arith.constant 0 : index
      %get3A_42 = arith.constant 0 : index
      %get3A_43 = vector.load %arg10[%get3A_41, %get3A_42] : memref<1x1024xf32, #tpu.memory_space<vmem>>, vector<1x1024xf32>
      %get3A_44 = arith.constant 0 : index
      %get3A_45 = arith.constant 0 : index
      %get3A_46 = vector.load %arg11[%get3A_44, %get3A_45] : memref<1x1024xf32, #tpu.memory_space<vmem>>, vector<1x1024xf32>
      %reduce_sum3A = arith.constant dense<0.000000e+00> : vector<1024xf32>
      %reduce_sum3A_47 = vector.multi_reduction <add>, %mul3A_40, %reduce_sum3A [1] : vector<1024x1024xf32> to vector<1024xf32>
      %broadcast_in_dim3A = vector.shape_cast %reduce_sum3A_47 : vector<1024xf32> to vector<1024x1xf32>
      %div3A = arith.constant 1.024000e+03 : f32
      %div3A_48 = vector.broadcast %div3A : f32 to vector<1024x1xf32>
      %div3A_49 = arith.divf %broadcast_in_dim3A, %div3A_48 : vector<1024x1xf32>
      %mul3A_50 = arith.mulf %mul3A_40, %mul3A_40 : vector<1024x1024xf32>
      %reduce_sum3A_51 = arith.constant dense<0.000000e+00> : vector<1024xf32>
      %reduce_sum3A_52 = vector.multi_reduction <add>, %mul3A_50, %reduce_sum3A_51 [1] : vector<1024x1024xf32> to vector<1024xf32>
      %broadcast_in_dim3A_53 = vector.shape_cast %reduce_sum3A_52 : vector<1024xf32> to vector<1024x1xf32>
      %div3A_54 = arith.constant 1.024000e+03 : f32
      %div3A_55 = vector.broadcast %div3A_54 : f32 to vector<1024x1xf32>
      %div3A_56 = arith.divf %broadcast_in_dim3A_53, %div3A_55 : vector<1024x1xf32>
      %mul3A_57 = arith.mulf %div3A_49, %div3A_49 : vector<1024x1xf32>
      %sub3A_58 = arith.subf %div3A_56, %mul3A_57 : vector<1024x1xf32>
      %sub3A_59 = vector.broadcast %div3A_49 : vector<1024x1xf32> to vector<1024x1024xf32>
      %sub3A_60 = arith.subf %mul3A_40, %sub3A_59 : vector<1024x1024xf32>
      %add3A_61 = arith.constant 9.99999974E-6 : f32
      %add3A_62 = vector.broadcast %add3A_61 : f32 to vector<1024x1xf32>
      %add3A_63 = arith.addf %sub3A_58, %add3A_62 : vector<1024x1xf32>
      %rsqrt3A = math.rsqrt %add3A_63 : vector<1024x1xf32>
      %mul3A_64 = vector.broadcast %rsqrt3A : vector<1024x1xf32> to vector<1024x1024xf32>
      %mul3A_65 = arith.mulf %sub3A_60, %mul3A_64 : vector<1024x1024xf32>
      %mul3A_66 = vector.broadcast %get3A_43 : vector<1x1024xf32> to vector<1024x1024xf32>
      %mul3A_67 = arith.mulf %mul3A_65, %mul3A_66 : vector<1024x1024xf32>
      %add3A_68 = vector.broadcast %get3A_46 : vector<1x1024xf32> to vector<1024x1024xf32>
      %add3A_69 = arith.addf %mul3A_67, %add3A_68 : vector<1024x1024xf32>
      %mul3A_70 = arith.constant 1024 : i32
      %mul3A_71 = arith.muli %sub3A_12, %mul3A_70 : i32
      %get3A_72 = arith.index_cast %mul3A_71 : i32 to index
      %get3A_73 = arith.constant 0 : index
      %get3A_74 = vector.load %arg15[%get3A_72, %get3A_73] : memref<4096x1024xbf16, #tpu.memory_space<vmem>>, vector<1024x1024xbf16>
      %convert_element_type3A_75 = arith.extf %get3A_74 : vector<1024x1024xbf16> to vector<1024x1024xf32>
      %add3A_76 = arith.addf %add3A_69, %convert_element_type3A_75 : vector<1024x1024xf32>
      %swap3A = arith.constant 0 : index
      %swap3A_77 = arith.constant 0 : index
      %swap3A_78 = arith.constant 0 : index
      %swap3A_79 = vector.load %arg12[%swap3A, %swap3A_77, %swap3A_78] : memref<1x1024x1024xf32, #tpu.memory_space<vmem>>, vector<1x1024x1024xf32>
      %swap3A_80 = vector.shape_cast %swap3A_79 : vector<1x1024x1024xf32> to vector<1024x1024xf32>
      %swap3A_81 = vector.shape_cast %add3A_76 : vector<1024x1024xf32> to vector<1x1024x1024xf32>
      tpu.vector_store %arg12[%swap3A, %swap3A_77, %swap3A_78], %swap3A_81 {strides = array<i32>} : memref<1x1024x1024xf32, #tpu.memory_space<vmem>>, vector<1x1024x1024xf32>,
    } else {
    }
    return
  }
  func.func @transform_0(%arg0: i32, %arg1: i32) -> (i32, i32, i32) {
    %lt3A = arith.constant 4 : i32
    %lt3A_0 = arith.cmpi slt, %arg1, %lt3A : i32
    %sub3A = arith.constant 4 : i32
    %sub3A_1 = arith.subi %arg1, %sub3A : i32
    %sub3A_2 = arith.constant 1 : i32
    %sub3A_3 = arith.subi %sub3A_1, %sub3A_2 : i32
    %jit3A = arith.constant 0 : i32
    %jit3A_4 = arith.constant 3 : i32
    %max3A = arith.maxsi %jit3A, %sub3A_3 : i32
    %min3A = arith.minsi %jit3A_4, %max3A : i32
    %select_n3A = arith.select %lt3A_0, %arg1, %min3A : i32
    %c0_i32 = arith.constant 0 : i32
    %c0_i32_5 = arith.constant 0 : i32
    return %arg0, %select_n3A, %c0_i32 : i32, i32, i32
  }
  func.func @transform_1(%arg0: i32, %arg1: i32) -> (i32, i32, i32) {
    %min3A = arith.constant 3 : i32
    %min3A_0 = arith.minsi %arg1, %min3A : i32
    %c0_i32 = arith.constant 0 : i32
    %c0_i32_1 = arith.constant 0 : i32
    return %arg0, %min3A_0, %c0_i32 : i32, i32, i32
  }
  func.func @transform_2(%arg0: i32, %arg1: i32) -> (i32, i32) {
    %c0_i32 = arith.constant 0 : i32
    %c0_i32_0 = arith.constant 0 : i32
    %c0_i32_1 = arith.constant 0 : i32
    return %c0_i32, %c0_i32_0 : i32, i32
  }
  func.func @transform_3(%arg0: i32, %arg1: i32) -> (i32, i32) {
    %c0_i32 = arith.constant 0 : i32
    %c0_i32_0 = arith.constant 0 : i32
    %c0_i32_1 = arith.constant 0 : i32
    return %c0_i32, %c0_i32_0 : i32, i32
  }
  func.func @transform_4(%arg0: i32, %arg1: i32) -> (i32, i32) {
    %c0_i32 = arith.constant 0 : i32
    %c0_i32_0 = arith.constant 0 : i32
    %c0_i32_1 = arith.constant 0 : i32
    return %c0_i32, %c0_i32_0 : i32, i32
  }
  func.func @transform_5(%arg0: i32, %arg1: i32) -> (i32, i32) {
    %c0_i32 = arith.constant 0 : i32
    %c0_i32_0 = arith.constant 0 : i32
    %c0_i32_1 = arith.constant 0 : i32
    return %c0_i32, %c0_i32_0 : i32, i32
  }
  func.func @transform_6(%arg0: i32, %arg1: i32) -> (i32, i32) {
    %c0_i32 = arith.constant 0 : i32
    %c0_i32_0 = arith.constant 0 : i32
    %c0_i32_1 = arith.constant 0 : i32
    return %c0_i32, %c0_i32_0 : i32, i32
  }
  func.func @transform_7(%arg0: i32, %arg1: i32) -> (i32, i32) {
    %c0_i32 = arith.constant 0 : i32
    %c0_i32_0 = arith.constant 0 : i32
    %c0_i32_1 = arith.constant 0 : i32
    return %c0_i32, %c0_i32_0 : i32, i32
  }
  func.func @transform_8(%arg0: i32, %arg1: i32) -> (i32, i32) {
    %c0_i32 = arith.constant 0 : i32
    %c0_i32_0 = arith.constant 0 : i32
    %c0_i32_1 = arith.constant 0 : i32
    return %c0_i32, %c0_i32_0 : i32, i32
  }
  func.func @transform_9(%arg0: i32, %arg1: i32) -> (i32, i32) {
    %c0_i32 = arith.constant 0 : i32
    %c0_i32_0 = arith.constant 0 : i32
    %c0_i32_1 = arith.constant 0 : i32
    return %c0_i32, %c0_i32_0 : i32, i32
  }
  func.func @transform_10(%arg0: i32, %arg1: i32) -> (i32, i32, i32) {
    %sub3A = arith.constant 4 : i32
    %sub3A_0 = arith.subi %arg1, %sub3A : i32
    %sub3A_1 = arith.constant 1 : i32
    %sub3A_2 = arith.subi %sub3A_0, %sub3A_1 : i32
    %jit3A = arith.constant 0 : i32
    %jit3A_3 = arith.constant 3 : i32
    %max3A = arith.maxsi %jit3A, %sub3A_2 : i32
    %min3A = arith.minsi %jit3A_3, %max3A : i32
    %c0_i32 = arith.constant 0 : i32
    %c0_i32_4 = arith.constant 0 : i32
    return %arg0, %min3A, %c0_i32 : i32, i32, i32
  }
}

</mosaic_0001>

<sc_bundles>
// kernel: kernel.4.cloned.1.call-start
scs
__scs_entry_jumppad:
0x0: {  	(pc) =	sbr.rel $0x88, $3  }
0x1: {  	(tag) =	ssettag $0x0;
	lr =	simm.s32 $0x1  }
0x2: {  	[smem:$0x3F96] =	sst lr;
	_ =	strace $0xD0000000  }
0x3: {  	_ = 	snop  }
0x4: {  	_ = 	snop  }
0x5: {  	_ = 	snop  }
0x6: {  	_ = 	snop  }
0x7: {  	_ = 	snop  }
__scs_overlays_trampoline_lowered:
0x8: {  	[smem:$0x3FA5] =	sst s0  }
0x9: {  	[smem:$0x3FA6] =	sst s1  }
0xa: {  	[smem:$0x3FA7] =	sst s2  }
0xb: {  	[smem:$0x3FA8] =	sst s3  }
0xc: {  	[smem:$0x3FA9] =	sst s4  }
0xd: {  	[smem:$0x3FAA] =	sst s5  }
0xe: {  	[smem:$0x3FAB] =	sst s6  }
0xf: {  	[smem:$0x3FAC] =	sst s7  }
0x10: {  	[smem:$0x3FAD] =	sst s8  }
0x11: {  	[smem:$0x3FAE] =	sst s9;
	s0 =	simm.s32 @!p0 $0x0  }
0x12: {  	s1 =	sld [smem:$0x3F94];
	s0 =	simm.s32 @p0 $0x1  }
0x13: {  	[smem:$0x3FAF] =	sst s0;
	s0 =	simm.s32 @!p1 $0x0  }
0x14: {  	s2 =	sld [smem:$0x3F93];
	s0 =	simm.s32 @p1 $0x1  }
0x15: {  	[smem:$0x3FB0] =	sst s0;
	s0 =	simm.s32 @!p2 $0x0  }
0x16: {  	s3 =	sld [smem:$0x3FDB];
	s0 =	simm.s32 @p2 $0x1  }
0x17: {  	s4 =	simm.s32 $0x1BF5;
	[smem:$0x3FB2] =	sst s0  }
0x18: {  	s0 =	sld [smem:$0x3F95];
	_ =	swait.ge [sflag:s4], $0x0  }
0x19: {  	s7 =	sld [smem:$0x3F96]  }
0x1a: {  	s8 =	sadd.s32 $0xFFFFE003, lr  }
0x1b: {  	s9 =	sadd.s32 $0xFFFFFEF7, lr;
	s5 =	simm.s32 $0xFFFFFFFF;
	p2 =	slt.u32 s8, $0xFFFFF086  }
0x1c: {  	p1 =	slt.u32 s9, $0xF7A;
	s5 =	simm.s32 @!p2 $0x0  }
0x1d: {  	s5 =	simm.s32 @p1 $0x1;
	p0 =	seq.s32 s7, s2  }
0x1e: {  	s7 =	smul.u32 @!p0 $0xF7A, s2;
	p2 =	seq.s32 @!p0 s5, $0x0  }
0x1f: {  	s9 =	smul.u32 $0xF7A, s1;
	s8 =	simm.s32 @!p0 $0x1BF5;
	p2 =	por !p2, p0  }
0x20: {  	[sflag:s8] =	ssyncset.s32 @!p0 $0xFFFFF086;
	s6 =	sadd.s32 @!p0 s3, s7;
	s7 =	simm.s32 @!p0 $0x108  }
0x21: {  	s3 =	sadd.s32 s3, s9;
	s6 =	sadd.s32 @!p0 $0x88, s6;
	s7 =	simm.s32 @p2 $0x1082  }
0x22: {  	[simem:s7], [sflag:s8] =	dma.local @!p0 [hbm:s6], $0xF7A  }
0x23: {  	s9 =	sor.u32 $0xD0000000, s2;
	s6 =	simm.s32 $0x108;
	_ =	swait.ge @!p0 [sflag:s8], $0x0  }
0x24: {  	s3 =	sadd.s32 $0x88, s3;
	s6 =	simm.s32 @!p1 $0x1082;
	[sflag:s4] =	ssyncset.s32 $0xFFFFF086  }
0x25: {  	[simem:s6], [sflag:s4] =	dma.local [hbm:s3], $0xF7A  }
0x26: {  	[smem:$0x3F96] =	sst s1;
	(tag) =	ssettag s2;
	_ =	strace s9  }
0x27: {  	s1 =	sld [smem:$0x3FA6]  }
0x28: {  	s2 =	sld [smem:$0x3FA7]  }
0x29: {  	s4 =	sld [smem:$0x3FA9]  }
0x2a: {  	p0 =	seq.s32 s5, $0x0;
	s5 =	sld [smem:$0x3FAA]  }
0x2b: {  	s6 =	sld [smem:$0x3FAB]  }
0x2c: {  	s7 =	sld [smem:$0x3FAC]  }
0x2d: {  	s3 =	simm.s32 $0x108;
	s8 =	sld [smem:$0x3FAD]  }
0x2e: {  	s3 =	simm.s32 @!p0 $0x1082;
	s9 =	sld [smem:$0x3FAE]  }
0x2f: {  	lr =	sadd.s32 s0, s3;
	s0 =	sld [smem:$0x3FA5]  }
0x30: {  	s3 =	sld [smem:$0x3FA8]  }
0x31: {  	[smem:$0x3FB1] =	sst s10  }
0x32: {  	s10 =	sld [smem:$0x3FAF];
	_ =	sdelay $0x3  }
0x33: {  	p0 =	seq.s32 s10, $0x1;
	s10 =	sld [smem:$0x3FB1];
	_ =	sdelay $0x3  }
0x34: {  	[smem:$0x3FB1] =	sst s10  }
0x35: {  	s10 =	sld [smem:$0x3FB0];
	_ =	sdelay $0x3  }
0x36: {  	p1 =	seq.s32 s10, $0x1;
	s10 =	sld [smem:$0x3FB1];
	_ =	sdelay $0x3  }
0x37: {  	[smem:$0x3FB1] =	sst s10  }
0x38: {  	s10 =	sld [smem:$0x3FB2]  }
0x39: {  	_ = 	snop;
	(pc) =	sbr.ind lr, $3  }
0x3a: {  	_ = 	snop  }
0x3b: {  	_ = 	snop  }
0x3c: {  	p2 =	seq.s32 s10, $0x1;
	s10 =	sld [smem:$0x3FB1]  }
0x3d: {  	_ =	shalt  }
0x3e: {  	_ =	shalt  }
0x3f: {  	_ =	shalt  }
0x40: {  	_ =	shalt  }
0x41: {  	_ =	shalt  }
0x42: {  	_ =	shalt  }
0x43: {  	_ =	shalt  }
0x44: {  	_ =	shalt  }
0x45: {  	_ =	shalt  }
0x46: {  	_ =	shalt  }
0x47: {  	_ =	shalt  }
0x48: {  	_ =	shalt  }
0x49: {  	_ =	shalt  }
0x4a: {  	_ =	shalt  }
0x4b: {  	_ =	shalt  }
0x4c: {  	_ =	shalt  }
0x4d: {  	_ =	shalt  }
0x4e: {  	_ =	shalt  }
0x4f: {  	_ =	shalt  }
0x50: {  	_ =	shalt  }
0x51: {  	_ =	shalt  }
0x52: {  	_ =	shalt  }
0x53: {  	_ =	shalt  }
0x54: {  	_ =	shalt  }
0x55: {  	_ =	shalt  }
0x56: {  	_ =	shalt  }
0x57: {  	_ =	shalt  }
0x58: {  	_ =	shalt  }
0x59: {  	_ =	shalt  }
0x5a: {  	_ =	shalt  }
0x5b: {  	_ =	shalt  }
0x5c: {  	_ =	shalt  }
0x5d: {  	_ =	shalt  }
0x5e: {  	_ =	shalt  }
0x5f: {  	_ =	shalt  }
0x60: {  	_ =	shalt  }
0x61: {  	_ =	shalt  }
0x62: {  	_ =	shalt  }
0x63: {  	_ =	shalt  }
0x64: {  	_ =	shalt  }
0x65: {  	_ =	shalt  }
0x66: {  	_ =	shalt  }
0x67: {  	_ =	shalt  }
0x68: {  	_ =	shalt  }
0x69: {  	_ =	shalt  }
0x6a: {  	_ =	shalt  }
0x6b: {  	_ =	shalt  }
0x6c: {  	_ =	shalt  }
0x6d: {  	_ =	shalt  }
0x6e: {  	_ =	shalt  }
0x6f: {  	_ =	shalt  }
0x70: {  	_ =	shalt  }
0x71: {  	_ =	shalt  }
0x72: {  	_ =	shalt  }
0x73: {  	_ =	shalt  }
0x74: {  	_ =	shalt  }
0x75: {  	_ =	shalt  }
0x76: {  	_ =	shalt  }
0x77: {  	_ =	shalt  }
0x78: {  	_ =	shalt  }
0x79: {  	_ =	shalt  }
0x7a: {  	_ =	shalt  }
0x7b: {  	_ =	shalt  }
0x7c: {  	_ =	shalt  }
0x7d: {  	_ =	shalt  }
0x7e: {  	_ =	shalt  }
0x7f: {  	_ =	shalt  }
0x80: {  	_ =	shalt  }
0x81: {  	_ =	shalt  }
0x82: {  	_ =	shalt  }
0x83: {  	_ =	shalt  }
0x84: {  	_ =	shalt  }
0x85: {  	_ =	shalt  }
0x86: {  	_ =	shalt  }
0x87: {  	_ =	shalt  }
.Lfunc_end0:
.L_simem_size_0:
called_computation_lowered:
.L_overlay_start_0:
0x88: {  	s2 =	sld [smem:$0x3FD9]  }
0x89: {  	s3 =	sld [smem:$0x3FFE];
	_ =	sdelay $0x1  }
0x8a: {  	s1 =	srdreg.scid  }
0x8b: {  	s0 =	sand.u32 $0x1, s1  }
0x8c: {  	s17 =	sshll.u32 s0, $0xA;
	s2 =	sadd.s32 s3, s2  }
0x8d: {  	s2 =	sadd.s32 s2, s17  }
0x8e: {  	[smem:$0x3FBD] =	sst s2  }
0x8f: {  	_ = 	snop  }
0x90: {  	s2 =	sld [smem:$0x3FD0];
	(tm) =	ssettm $0x1  }
0x91: {  	s18 =	sld [smem:$0x3FFB];
	_ =	sdelay $0x3  }
0x92: {  	_ =	strace s18  }
0x93: {  	s3 =	sld [smem:$0x3FFC];
	_ =	sdelay $0x3  }
0x94: {  	_ =	strace s3  }
0x95: {  	s3 =	sld [smem:$0x3FFD];
	_ =	sdelay $0x3  }
0x96: {  	_ =	strace s3  }
0x97: {  	_ =	strace $0x8FFFFFFF  }
0x98: {  	s19 =	sld [smem:$0x3FDB];
	_ =	sdelay $0x1  }
0x99: {  	s4 =	simm.s32 $_scs_section_size  }
0x9a: {  	s5 =	simm.s32 $_size__tile_overlayer_lowered;
	s6 =	simm.s32 $_tile_overlayer_lowered  }
0x9b: {  	s22 =	simm.s32 $0x1BFF;
	s21 =	sshll.u32 s6, $0x1;
	s3 =	sadd.s32 s4, s19  }
0x9c: {  	s7 =	simm.s32 $0x0;
	s20 =	sshll.u32 s5, $0x1;
	s5 =	sadd.s32 s21, s3  }
0x9d: {  	[timem:s7], [sflag:s22] =	dma.local [hbm:s5], s20  }
0x9e: {  	_ =	swait.ge [sflag:s22], s20  }
0x9f: {  	s4 =	ssub.s32 $0x0, s20;
	[sflag:s22] =	ssyncset.done $0x0  }
0xa0: {  	[sflag:s22] =	ssyncadd.s32 s4;
	_ =	sdelay $0x1  }
0xa1: {  	s23 =	simm.s32 $0x1B8B  }
0xa2: {  	_ =	swait.ge [sflag:s23], $0x1  }
0xa3: {  	[sflag:s23] =	ssyncset.done $0x0  }
0xa4: {  	s25 =	simm.s32 $0x1B8E;
	s24 =	sld [smem:$0x3FFE];
	[sflag:s23] =	ssyncadd.s32 $0xFFFFFFFF  }
0xa5: {  	s26 =	simm.s32 $execute0_lowered;
	[smem:$0x3FD2] =	sst s25  }
0xa6: {  	s5 =	sshll.u32 s26, $0x1;
	_ =	strace $0x80000046;
	[dreg:$0x1] =	wrdreg $0xFFFFFFFF  }
0xa7: {  	s28 =	simm.s32 $_size_execute0_lowered;
	s3 =	sadd.s32 s3, s5;
	[dreg:$0x0] =	wrdreg $0x0  }
0xa8: {  	s5 =	sshll.u32 s28, $0x1;
	[dreg:$0x2] =	wrdreg s3  }
0xa9: {  	[dreg:$0x3] =	wrdreg s5  }
0xaa: {  	[dreg:$0x4] =	wrdreg $0xC0  }
0xab: {  	_ =	task [dreg:s7], $0x5FFFF  }
0xac: {  	[dreg:$0x1] =	wrdreg $0xFFFFFFFF  }
0xad: {  	[dreg:$0x0] =	wrdreg $0x60  }
0xae: {  	[dreg:$0x2] =	wrdreg s24  }
0xaf: {  	[dreg:$0x3] =	wrdreg s2  }
0xb0: {  	[dreg:$0x4] =	wrdreg $0x9  }
0xb1: {  	_ =	task.clear_ibuf [dreg:s7], $0x5FFFF;
	_ =	strace $0x90000046  }
0xb2: {  	s29 =	simm.s32 $0x9;
	_ =	strace $0x80000048  }
0xb3: {  	_ =	swait.ge [sflag:s29], $0x1  }
0xb4: {  	[sflag:s29] =	ssyncadd.s32 $0xFFFFFFFF  }
0xb5: {  	_ =	strace $0x90000048  }
0xb6: {  	_ =	sfence  }
0xb7: {  	s30 =	sld [smem:$0x0];
	_ =	sdelay $0x2  }
0xb8: {  	s31 =	sshll.u32 s1, $0xD;
	s1 =	sshrl.u32 s1, $0x2  }
0xb9: {  	s3 =	sand.u32 $0x4000, s31;
	s1 =	sadd.s32 s1, s30  }
0xba: {  	s0 =	sor.u32 s3, s0;
	s1 =	sshll.u32 s1, $0x11  }
0xbb: {  	s0 =	sor.u32 s1, s0  }
0xbc: {  	s0 =	sadd.s32 $0x8F2B, s0  }
0xbd: {  	[sflag:s0] =	ssyncadd.remote.s32 $0x1  }
0xbe: {  	_ =	sfence.sel $0xFFFF  }
0xbf: {  	[dreg:$0x0] =	wrdreg $0xFFFFFFFF;
	(pc) =	sbr.abs _section_cstart, $3  }
0xc0: {  	[dreg:$0x1] =	wrdreg $0xFFFFFFFF  }
0xc1: {  	_ =	task.clear_ibuf [dreg:s7], $0x2FFFF;
	_ =	strace $0x9FFFFFFF  }
0xc2: {  	(tm) =	ssettm $0x7FFFFFFF  }
0xc3: {  	_ =	shalt  }
tec
execute0_lowered:
.L_overlay_start_1:
0x0: {  	(tag) =	ssettag $0x1  }
0x1: {  	s3 =	rddreg [dreg:$0x0]  }
0x2: {  	s5 =	rddreg [dreg:$0x1]  }
0x3: {  	s2 =	srdreg.scid;
	s1 =	stileid.u32  }
0x4: {  	s0 =	rddreg [dreg:$0x2];
	s9 =	simm.s32 $0x2000;
	s10 =	simm.s32 $0x0  }
0x5: {  	s4 =	sand.u32 $0x1, s2;
	s6 =	sshll.u32 s1, $0x1;
	s2 =	simm.s32 $0x0  }
0x6: {  	s6 =	sor.u32 s4, s6;
	s4 =	ssub.s32 $0x2, s4;
	[smem:$0x7FF] =	sst s2  }
0x7: {  	s7 =	sshll.u32 s6, $0x9;
	s8 =	sshrl.u32 s4, $0x1;
	_ =	strace $0x80000047  }
0x8: {  	s6 =	sshll.u32 s6, $0xC;
	s7 =	sadd.s32 s7, s3;
	s8 =	ssub.s32 s4, s8  }
0x9: {  	s5 =	sadd.s32 s5, s6;
	s3 =	sadd.s32 $0x800, s7;
	s4 =	sadd.s32 $0x4800, s7  }
0xa: {  	v0 =	vimm.f32 $0.0e+00;
	v1 =	vlaneseq.u32;
	s6 =	smax.u32 s8, $0x1;
	s7 =	simm.s32 $0x1;
	s8 =	simm.s32 $0x1000  }
.LBB2_1:
0xb: {  	[tilespmem:s2], [sflag:$0x1] =	stream.linear.gather [hbm4b:s3+s2], $0x1000, $0x38;
	[tilespmem:$0xA000] =	vst v63  }
0xc: {  	_ =	swait.ge [sflag:s7], $0x1000  }
0xd: {  	[sflag:s7] =	ssyncset.done $0x0  }
0xe: {  	[sflag:s7] =	ssyncadd.s32 $0xFFFFF000  }
0xf: {  	[tilespmem:s8], [sflag:$0x1] =	stream.linear.gather [hbm4b:s4+s2], $0x1000, $0x38;
	[tilespmem:$0xA000] =	vst v63  }
0x10: {  	_ =	swait.ge [sflag:s7], $0x1000  }
0x11: {  	[sflag:s7] =	ssyncset.done $0x0  }
0x12: {  	s11 =	simm.s32 $0x0;
	s12 =	simm.s32 $0x200;
	[sflag:s7] =	ssyncadd.s32 $0xFFFFF000  }
.LBB2_2:
0x13: {  	p0 =	sne.s32 s12, $0x1FE00;
	[tilespmem:s11+$0x2070] =	vst v0  }
0x14: {  	[tilespmem:s11+$0x2000] =	vst v0  }
0x15: {  	[tilespmem:s11+$0x2010] =	vst v0  }
.Ltmp0:
0x16: {  	[tilespmem:s11+$0x2020] =	vst v0;
	(pc) =	sbr.rel @p0 .LBB2_2-.Ltmp0, $4  }
0x17: {  	[tilespmem:s11+$0x2030] =	vst v0  }
0x18: {  	[tilespmem:s11+$0x2040] =	vst v0  }
0x19: {  	[tilespmem:s11+$0x2050] =	vst v0  }
0x1a: {  	[tilespmem:s11+$0x2060] =	vst v0;
	s11 =	sshra.s32 s12, $0x2;
	s12 =	sadd.s32 $0x200, s12  }
0x1b: {  	[tilespmem:s11+$0x2070] =	vst v0  }
0x1c: {  	[tilespmem:s11+$0x2000] =	vst v0  }
0x1d: {  	[tilespmem:s11+$0x2010] =	vst v0  }
0x1e: {  	[tilespmem:s11+$0x2020] =	vst v0  }
0x1f: {  	[tilespmem:s11+$0x2030] =	vst v0  }
0x20: {  	[tilespmem:s11+$0x2040] =	vst v0  }
0x21: {  	[tilespmem:s11+$0x2050] =	vst v0  }
0x22: {  	[tilespmem:s11+$0x2060] =	vst v0;
	s11 =	simm.s32 $0x0  }
.LBB2_4:
0x23: {  	v2 =	vor.u32 s11, v1  }
0x24: {  	v3 =	vshll.u32 v2, $0x3;
	_ =	sdelay $0x4  }
0x25: {  	v4 =	vld.idx.msk [tilespmem:v3+s2+$0x0], $0xffff;
	_ =	sdelay $0x3  }
0x26: {  	v2 =	vshll.u32 v2, $0x6  }
0x27: {  	v5 =	vld.idx.msk [tilespmem:v3+s8+$0x0], $0xffff;
	v4 =	vadd.s32 v2, v4  }
0x28: {  	v6 =	vor.u32 $0x1, v3;
	_ =	sdelay $0x3  }
0x29: {  	[tilespmem:v4+s9+$0x0] =	vst.idx.add.f32.msk $0xffff, v5  }
0x2a: {  	v4 =	vld.idx.msk [tilespmem:v6+s2+$0x0], $0xffff;
	_ =	sdelay $0x4  }
0x2b: {  	v5 =	vld.idx.msk [tilespmem:v6+s8+$0x0], $0xffff;
	v4 =	vadd.s32 v2, v4  }
0x2c: {  	v59 =	vor.u32 $0x2, v3;
	_ =	sdelay $0x3  }
0x2d: {  	[tilespmem:v4+s9+$0x0] =	vst.idx.add.f32.msk $0xffff, v5  }
0x2e: {  	v4 =	vld.idx.msk [tilespmem:v59+s2+$0x0], $0xffff;
	_ =	sdelay $0x4  }
0x2f: {  	v5 =	vld.idx.msk [tilespmem:v59+s8+$0x0], $0xffff;
	v4 =	vadd.s32 v2, v4  }
0x30: {  	v60 =	vor.u32 $0x3, v3;
	_ =	sdelay $0x3  }
0x31: {  	[tilespmem:v4+s9+$0x0] =	vst.idx.add.f32.msk $0xffff, v5  }
0x32: {  	v4 =	vld.idx.msk [tilespmem:v60+s2+$0x0], $0xffff;
	_ =	sdelay $0x4  }
0x33: {  	v5 =	vld.idx.msk [tilespmem:v60+s8+$0x0], $0xffff;
	v4 =	vadd.s32 v2, v4  }
0x34: {  	v61 =	vor.u32 $0x4, v3;
	_ =	sdelay $0x3  }
0x35: {  	[tilespmem:v4+s9+$0x0] =	vst.idx.add.f32.msk $0xffff, v5  }
0x36: {  	v4 =	vld.idx.msk [tilespmem:v61+s2+$0x0], $0xffff;
	_ =	sdelay $0x4  }
0x37: {  	v5 =	vld.idx.msk [tilespmem:v61+s8+$0x0], $0xffff;
	v4 =	vadd.s32 v2, v4  }
0x38: {  	v62 =	vor.u32 $0x5, v3;
	_ =	sdelay $0x3  }
0x39: {  	[tilespmem:v4+s9+$0x0] =	vst.idx.add.f32.msk $0xffff, v5  }
0x3a: {  	v4 =	vld.idx.msk [tilespmem:v62+s2+$0x0], $0xffff;
	_ =	sdelay $0x4  }
0x3b: {  	v5 =	vld.idx.msk [tilespmem:v62+s8+$0x0], $0xffff;
	v4 =	vadd.s32 v2, v4  }
0x3c: {  	v63 =	vor.u32 $0x6, v3;
	_ =	sdelay $0x3  }
0x3d: {  	[tilespmem:v4+s9+$0x0] =	vst.idx.add.f32.msk $0xffff, v5  }
0x3e: {  	v4 =	vld.idx.msk [tilespmem:v63+s2+$0x0], $0xffff;
	_ =	sdelay $0x4  }
0x3f: {  	v5 =	vld.idx.msk [tilespmem:v63+s8+$0x0], $0xffff;
	v4 =	vadd.s32 v2, v4  }
0x40: {  	v3 =	vor.u32 $0x7, v3;
	_ =	sdelay $0x3  }
0x41: {  	[tilespmem:v4+s9+$0x0] =	vst.idx.add.f32.msk $0xffff, v5  }
0x42: {  	v4 =	vld.idx.msk [tilespmem:v3+s2+$0x0], $0xffff;
	_ =	sdelay $0x4  }
0x43: {  	p0 =	sne.s32 s11, $0x1F0;
	v3 =	vld.idx.msk [tilespmem:v3+s8+$0x0], $0xffff;
	v2 =	vadd.s32 v2, v4  }
.Ltmp1:
0x44: {  	_ = 	snop;
	(pc) =	sbr.rel @p0 .LBB2_4-.Ltmp1, $2  }
0x45: {  	_ =	sdelay $0x2  }
0x46: {  	s11 =	sadd.s32 $0x10, s11;
	[tilespmem:v2+s9+$0x0] =	vst.idx.add.f32.msk $0xffff, v3  }
0x47: {  	s10 =	sadd.s32 $0x1, s10  }
0x48: {  	p0 =	sne.s32 s10, s6  }
.Ltmp2:
0x49: {  	_ = 	snop;
	(pc) =	sbr.rel @p0 .LBB2_1-.Ltmp2, $4  }
0x4a: {  	[hbm4b:s5+s2] =	stream.linear.scatter [tilespmem:s9], [sflag:$0x1], $0x8000, $0x38;
	[tilespmem:$0xA000] =	vst v63  }
0x4b: {  	_ =	swait.ge [sflag:s7], $0x8000  }
0x4c: {  	[sflag:s7] =	ssyncset.done $0x0  }
0x4d: {  	[sflag:s7] =	ssyncadd.s32 $0xFFFF8000  }
0x4e: {  	_ =	sfence.sel $0x180000  }
0x4f: {  	[bflag:$0x0] =	sbarrier.arrive $0xFFFF  }
0x50: {  	p0 =	sne.s32 s1, $0x0;
	_ =	strace $0x90000047  }
0x51: {  	s0 =	sadd.s32 @!p0 $0x100000, s0;
	[bflag:$0x2] =	sbarrier.arrive $0xFFFF  }
0x52: {  	[sflag:s0] =	ssyncadd.tile.s32 @!p0 $0x1;
	_ =	shalt  }
.Lfunc_end2:
_tile_overlayer_lowered:
.L_overlay_start_2:
0x53: {  	(tag) =	ssettag $0x2  }
0x54: {  	s0 =	rddreg [dreg:$0x0];
	s2 =	stileid.u32  }
0x55: {  	s1 =	rddreg [dreg:$0x1];
	p0 =	sne.s32 s2, $0x0  }
0x56: {  	s3 =	rddreg [dreg:$0x2];
	[bflag:$0x3] =	sbarrier.arrive $0xFFFF;
	s2 =	simm.s32 @!p0 $0x1C01  }
0x57: {  	[timem:s3], [sflag:s2] =	dma.local @!p0 [hbm:s0], s1  }
0x58: {  	s0 =	simm.s32 @!p0 $0x1  }
0x59: {  	_ =	swait.ge @!p0 [sflag:s0], s1  }
0x5a: {  	s1 =	ssub.s32 @!p0 $0x0, s1;
	[sflag:s0] =	ssyncset.done @!p0 $0x0  }
0x5b: {  	[sflag:s0] =	ssyncadd.s32 @!p0 s1  }
0x5c: {  	[bflag:$0x3] =	sbarrier.arrive $0xFFFF  }
0x5d: {  	_ =	shalt  }

</sc_bundles>
